<compile_context>
chip_gen: v7x
topology: tpu7x:2x2x1
jax: 0.10.2.dev20260603
libtpu: 0.0.44.dev20260713+nightly
codegen_flags: <defaults>
</compile_context>

<pallas_src>
import functools

import jax
import jax.numpy as jnp
from jax import lax
from jax.experimental import pallas as pl
from jax.experimental.pallas import tpu as pltpu
from jax.experimental.pallas import tpu_sc as plsc

N = 10000
E = 320000
D = 128
L = 3
NF = 512
NG = 64

NC = 2
NS = 16
NW = NC * NS
C = 128
NCHUNK = E // C
TBASE = NCHUNK // NW
TEXTRA = NCHUNK - TBASE * NW
ROWS_A = 624
ROWS_LAST = N - 15 * ROWS_A


BE = 1280


def _k1_body(ea_ref, w_ref, b_ref, o_ref):
    o_ref[...] = lax.dot_general(
        ea_ref[...], w_ref[...], (((1,), (1,)), ((), ())),
        preferred_element_type=jnp.float32) + b_ref[...]


def _k1(ea, w, b):
    grid = (E // BE,)
    blk = pl.BlockSpec((BE, D), lambda i: (i, 0))
    return pl.pallas_call(
        _k1_body,
        grid=grid,
        in_specs=[
            blk,
            pl.BlockSpec((D, D), lambda i: (0, 0)),
            pl.BlockSpec((1, D), lambda i: (0, 0)),
        ],
        out_specs=blk,
        out_shape=jax.ShapeDtypeStruct((E, D), jnp.float32),
    )(ea, w, b)


def _k2_body(h_hbm, ea_hbm, src_hbm, dst_hbm, eaidx_hbm, zero_hbm, out_hbm,
             src_v, dst_v, eaidx_v, ea_v, hr_v, sem_h, sem_e, agg_sh):
    cid = lax.axis_index("c")
    sid = lax.axis_index("s")
    wid = cid * NS + sid
    start = wid * TBASE + jnp.minimum(wid, TEXTRA)
    nchunks = TBASE + jnp.where(wid < TEXTRA, 1, 0)

    row0 = pl.multiple_of(sid * ROWS_A, 8)

    @pl.when(sid < NS - 1)
    def _zero_main():
        pltpu.sync_copy(zero_hbm.at[pl.ds(row0, ROWS_A)],
                        agg_sh.at[pl.ds(row0, ROWS_A)])

    @pl.when(sid == NS - 1)
    def _zero_last():
        pltpu.sync_copy(zero_hbm.at[pl.ds((NS - 1) * ROWS_A, ROWS_LAST)],
                        agg_sh.at[pl.ds((NS - 1) * ROWS_A, ROWS_LAST)])

    plsc.subcore_barrier()

    def chunk_body(j, carry):
        @pl.when(j < nchunks)
        def _do_chunk():
            g = start + j
            pltpu.sync_copy(src_hbm.at[g], src_v)
            pltpu.sync_copy(dst_hbm.at[g], dst_v)
            pltpu.sync_copy(eaidx_hbm.at[g], eaidx_v)
            cp_e = pltpu.async_copy(ea_hbm.at[eaidx_v], ea_v, sem_e)
            cp_h = pltpu.async_copy(h_hbm.at[src_v], hr_v, sem_h)
            cp_e.wait()
            cp_h.wait()

            def row_body(i, carry2):
                for k in range(D // 16):
                    sl = (i, pl.ds(k * 16, 16))
                    ea_v[sl] = jnp.maximum(ea_v[sl] + hr_v[sl], 0.0)
                return carry2

            lax.fori_loop(0, C, row_body, 0)
            pltpu.sync_copy(ea_v, agg_sh.at[dst_v], add=True)

        return carry

    lax.fori_loop(0, TBASE + 1, chunk_body, 0)
    plsc.subcore_barrier()

    @pl.when(sid < NS - 1)
    def _dump_main():
        pltpu.sync_copy(agg_sh.at[pl.ds(row0, ROWS_A)],
                        out_hbm.at[cid, pl.ds(row0, ROWS_A)])

    @pl.when(sid == NS - 1)
    def _dump_last():
        pltpu.sync_copy(agg_sh.at[pl.ds((NS - 1) * ROWS_A, ROWS_LAST)],
                        out_hbm.at[cid, pl.ds((NS - 1) * ROWS_A, ROWS_LAST)])


@functools.partial(jax.jit, static_argnames=())
def _k2(h, ea, src, dst, eaidx, zeros):
    mesh = plsc.VectorSubcoreMesh(core_axis_name="c", subcore_axis_name="s",
                                  num_cores=NC, num_subcores=NS)
    f = pl.kernel(
        _k2_body,
        out_type=jax.ShapeDtypeStruct((NC, N, D), jnp.float32),
        mesh=mesh,
        scratch_types=[
            pltpu.VMEM((C,), jnp.int32),
            pltpu.VMEM((C,), jnp.int32),
            pltpu.VMEM((C,), jnp.int32),
            pltpu.VMEM((C, D), jnp.float32),
            pltpu.VMEM((C, D), jnp.float32),
            pltpu.SemaphoreType.DMA,
            pltpu.SemaphoreType.DMA,
            pltpu.VMEM_SHARED((N, D), jnp.float32),
        ],
    )
    return f(h, ea, src, dst, eaidx, zeros)


def _k3_body(h_ref, agg_ref, w1_ref, b1_ref, w2_ref, b2_ref, g_ref, bb_ref,
             o_ref):
    z = h_ref[...] + agg_ref[0] + agg_ref[1]
    z1 = lax.dot_general(z, w1_ref[...], (((1,), (1,)), ((), ())),
                         preferred_element_type=jnp.float32) + b1_ref[...]
    z1 = jnp.maximum(z1, 0.0)
    z2 = lax.dot_general(z1, w2_ref[...], (((1,), (1,)), ((), ())),
                         preferred_element_type=jnp.float32) + b2_ref[...]
    z3 = jnp.maximum(z2, 0.0)
    mu = jnp.mean(z3, axis=0, keepdims=True)
    dzm = z3 - mu
    var = jnp.mean(dzm * dzm, axis=0, keepdims=True)
    o_ref[...] = dzm / jnp.sqrt(var + 1e-5) * g_ref[...] + bb_ref[...]


def _k3(h, agg, w1, b1, w2, b2, g, bb):
    return pl.pallas_call(
        _k3_body,
        out_shape=jax.ShapeDtypeStruct((N, D), jnp.float32),
    )(h, agg, w1, b1, w2, b2, g, bb)


NB = 1000


def _k4_body(h_ref, fb_ref, gb_ref, of_ref, og_ref, cf_ref, cg_ref):
    i = pl.program_id(0)
    nsteps = pl.num_programs(0)
    h = h_ref[...]
    ones = jnp.ones((NB, 1), dtype=jnp.float32)

    @pl.when(i == 0)
    def _init():
        of_ref[...] = jnp.zeros_like(of_ref)
        og_ref[...] = jnp.zeros_like(og_ref)
        cf_ref[...] = jnp.zeros_like(cf_ref)
        cg_ref[...] = jnp.zeros_like(cg_ref)

    for (b_ref, o_ref, c_ref, nseg) in (
            (fb_ref, of_ref, cf_ref, NF), (gb_ref, og_ref, cg_ref, NG)):
        seg_ids = lax.broadcasted_iota(
            jnp.int32, (1, nseg), 1).astype(jnp.float32)
        onehot = (b_ref[...] == seg_ids).astype(jnp.float32)
        o_ref[...] += lax.dot_general(
            onehot, h, (((0,), (0,)), ((), ())),
            preferred_element_type=jnp.float32,
        precision=lax.Precision.HIGHEST)
        c_ref[...] += lax.dot_general(
            onehot, ones, (((0,), (0,)), ((), ())),
            preferred_element_type=jnp.float32,
        precision=lax.Precision.HIGHEST)

    @pl.when(i == nsteps - 1)
    def _finish():
        of_ref[...] /= jnp.sqrt(jnp.maximum(cf_ref[...], 1.0))
        og_ref[...] /= jnp.sqrt(jnp.maximum(cg_ref[...], 1.0))


def _k4(h, fbf, gbf):
    grid = (N // NB,)
    return pl.pallas_call(
        _k4_body,
        grid=grid,
        in_specs=[
            pl.BlockSpec((NB, D), lambda i: (i, 0)),
            pl.BlockSpec((NB, 1), lambda i: (i, 0)),
            pl.BlockSpec((NB, 1), lambda i: (i, 0)),
        ],
        out_specs=(
            pl.BlockSpec((NF, D), lambda i: (0, 0)),
            pl.BlockSpec((NG, D), lambda i: (0, 0)),
        ),
        out_shape=(
            jax.ShapeDtypeStruct((NF, D), jnp.float32),
            jax.ShapeDtypeStruct((NG, D), jnp.float32),
        ),
        scratch_shapes=[
            pltpu.VMEM((NF, 1), jnp.float32),
            pltpu.VMEM((NG, 1), jnp.float32),
        ],
    )(h, fbf, gbf)


def kernel(x, edge_index, edge_attr, frag_batch, graph_batch,
           en_W, en_b, mlp_W1, mlp_b1, mlp_W2, mlp_b2, bn_g, bn_b):
    perm = jnp.argsort(edge_index[1], stable=True).astype(jnp.int32)
    src = edge_index[0][perm].reshape(NCHUNK, C)
    dst = edge_index[1][perm].reshape(NCHUNK, C)
    eaidx = perm.reshape(NCHUNK, C)
    zeros = jnp.zeros((N, D), jnp.float32)

    h = x
    ea = edge_attr
    for i in range(L):
        ea = _k1(ea, en_W[i], en_b[i][None, :])
        agg = _k2(h, ea, src, dst, eaidx, zeros)
        h = _k3(h, agg, mlp_W1[i], mlp_b1[i][None, :], mlp_W2[i],
                mlp_b2[i][None, :], bn_g[i][None, :], bn_b[i][None, :])

    fbf = frag_batch.astype(jnp.float32)[:, None]
    gbf = graph_batch.astype(jnp.float32)[:, None]
    return _k4(h, fbf, gbf)

# --- scband reference (transcript-rebuilt; emitter-appended) ---
"""Pipeline reference for scband-gnn-67027259621958 (READ-ONLY COPY).

The authoritative reference and input builder live on the scoring server;
editing this copy changes nothing except your own understanding.
"""

import jax, jax.numpy as jnp
import numpy as np

N = 10000
E = 320000
D = 128
L = 3
NF = 512
NG = 64


def setup_inputs(seed: int = 0) -> dict:
    key = jax.random.key(seed)
    ks = jax.random.split(key, 16)
    s = 1.0 / np.sqrt(D)
    inp = {}
    inp['x'] = jax.random.normal(ks[0], (N, D), dtype=jnp.float32)
    inp['edge_index'] = jax.random.randint(ks[1], (2, E), 0, N, dtype=jnp.int32)
    inp['edge_attr'] = jax.random.normal(ks[2], (E, D), dtype=jnp.float32)
    inp['frag_batch'] = jnp.sort(jax.random.randint(ks[3], (N,), 0, NF, dtype=jnp.int32))
    inp['graph_batch'] = jnp.sort(jax.random.randint(ks[4], (N,), 0, NG, dtype=jnp.int32))
    inp['en_W'] = jax.random.normal(ks[5], (L, D, D), dtype=jnp.float32) * s
    inp['en_b'] = jnp.zeros((L, D), dtype=jnp.float32)
    inp['mlp_W1'] = jax.random.normal(ks[6], (L, D, D), dtype=jnp.float32) * s
    inp['mlp_b1'] = jnp.zeros((L, D), dtype=jnp.float32)
    inp['mlp_W2'] = jax.random.normal(ks[7], (L, D, D), dtype=jnp.float32) * s
    inp['mlp_b2'] = jnp.zeros((L, D), dtype=jnp.float32)
    inp['bn_g'] = jnp.ones((L, D), dtype=jnp.float32)
    inp['bn_b'] = jnp.zeros((L, D), dtype=jnp.float32)
    return inp


def _aggregate_nodes(nodes_repr, batch, num_segments):
    counts = jax.ops.segment_sum(jnp.ones_like(batch, dtype=jnp.float32), batch, num_segments=num_segments)
    nodes_per_graph = counts[batch]
    norm = jnp.sqrt(nodes_per_graph)[:, None]
    return jax.ops.segment_sum(nodes_repr / norm, batch, num_segments=num_segments)


def reference(x, edge_index, edge_attr, frag_batch, graph_batch, en_W, en_b, mlp_W1, mlp_b1, mlp_W2, mlp_b2, bn_g, bn_b):
    src = edge_index[0]
    dst = edge_index[1]
    h = x
    ea = edge_attr
    for i in range(L):
        # edge_net (nn.Linear)
        ea = ea @ en_W[i].T + en_b[i]
        # GINEConv: message = ReLU(x_j + edge_attr), aggregated by sum at dst; eps = 0
        msg = jax.nn.relu(h[src] + ea)
        agg = jax.ops.segment_sum(msg, dst, num_segments=N)
        z = h + agg
        # MLP: Linear -> ReLU -> Linear
        z = jax.nn.relu(z @ mlp_W1[i].T + mlp_b1[i])
        z = z @ mlp_W2[i].T + mlp_b2[i]
        # BatchNorm1d(track_running_stats=False) over ReLU(z)
        z = jax.nn.relu(z)
        mu = jnp.mean(z, axis=0)
        var = jnp.var(z, axis=0)
        h = (z - mu) / jnp.sqrt(var + 1e-5) * bn_g[i] + bn_b[i]
    frag_out = _aggregate_nodes(h, frag_batch, NF)
    graph_out = _aggregate_nodes(h, graph_batch, NG)
    return (frag_out, graph_out)

if __name__ == "__main__":
    import jax
    _d = setup_inputs()
    print(jax.jit(kernel)(*tuple(_d.values())))

</pallas_src>

<mosaic_0001>
#map = affine_map<(d0, d1) -> (0, 0)>
#map1 = affine_map<(d0, d1) -> (0, 0, 0)>
module attributes {stable_mosaic.version = 14 : i64} {
  func.func @_k2_body(%arg0: i32, %arg1: i32, %arg2: memref<10000x128xf32, #tpu.memory_space<hbm>>, %arg3: memref<320000x128xf32, #tpu.memory_space<hbm>>, %arg4: memref<2500x128xi32, #tpu.memory_space<hbm>>, %arg5: memref<2500x128xi32, #tpu.memory_space<hbm>>, %arg6: memref<2500x128xi32, #tpu.memory_space<hbm>>, %arg7: memref<10000x128xf32, #tpu.memory_space<hbm>>, %arg8: memref<2x10000x128xf32, #tpu.memory_space<hbm>>, %arg9: memref<128xi32, #tpu.memory_space<vmem>>, %arg10: memref<128xi32, #tpu.memory_space<vmem>>, %arg11: memref<128xi32, #tpu.memory_space<vmem>>, %arg12: memref<128x128xf32, #tpu.memory_space<vmem>>, %arg13: memref<128x128xf32, #tpu.memory_space<vmem>>, %arg14: memref<!tpu.dma_semaphore, #tpu.memory_space<semaphore_mem>>, %arg15: memref<!tpu.dma_semaphore, #tpu.memory_space<semaphore_mem>>, %arg16: memref<10000x128xf32, #tpu.memory_space<vmem_shared>>) attributes {dimension_semantics = [#tpu.dimension_semantics<core_parallel>, #tpu.dimension_semantics<subcore_parallel>], iteration_bounds = array<i64: 2, 16>, scalar_prefetch = 0 : i64, scratch_operands = 8 : i64, tpu.core_type = #tpu.core_type<sc_vector_subcore>, window_params = [{transform_indices = #map}, {transform_indices = #map}, {transform_indices = #map}, {transform_indices = #map}, {transform_indices = #map}, {transform_indices = #map}, {transform_indices = #map1}]} {
    %mul3A = arith.constant 16 : i32
    %mul3A_0 = arith.muli %arg0, %mul3A : i32
    %add3A = arith.addi %mul3A_0, %arg1 : i32
    %mul3A_1 = arith.constant 78 : i32
    %mul3A_2 = arith.muli %add3A, %mul3A_1 : i32
    %min3A = arith.constant 4 : i32
    %min3A_3 = arith.minsi %add3A, %min3A : i32
    %add3A_4 = arith.addi %mul3A_2, %min3A_3 : i32
    %lt3A = arith.constant 4 : i32
    %lt3A_5 = arith.cmpi slt, %add3A, %lt3A : i32
    %jit3A = arith.constant 1 : i32
    %jit3A_6 = arith.constant 0 : i32
    %select_n3A = arith.select %lt3A_5, %jit3A, %jit3A_6 : i32
    %add3A_7 = arith.constant 78 : i32
    %add3A_8 = arith.addi %add3A_7, %select_n3A : i32
    %mul3A_9 = arith.constant 624 : i32
    %mul3A_10 = arith.muli %arg1, %mul3A_9 : i32
    %multiple_of3A = tpu.assume_multiple %mul3A_10, 8 : i32
    %lt3A_11 = arith.constant 15 : i32
    %lt3A_12 = arith.cmpi slt, %arg1, %lt3A_11 : i32
    %convert_element_type3A = arith.extui %lt3A_12 : i1 to i32
    %cond3A = arith.constant 0 : i32
    %cond3A_13 = arith.cmpi ne, %convert_element_type3A, %cond3A : i32
    scf.if %cond3A_13 {
      "tpu.region"() ({
        %run_scoped3A = tpu.sem_alloc : memref<!tpu.dma_semaphore, #tpu.memory_space<semaphore_mem>>
        %dma_start3A = arith.constant 0 : i32
        %dma_start3A_34 = tpu.memref_slice %arg16[%multiple_of3A, %dma_start3A] : memref<10000x128xf32, #tpu.memory_space<vmem_shared>> -> memref<624x128xf32, #tpu.memory_space<vmem_shared>>
        %dma_start3A_35 = arith.constant 0 : i32
        %dma_start3A_36 = tpu.memref_slice %arg7[%multiple_of3A, %dma_start3A_35] : memref<10000x128xf32, #tpu.memory_space<hbm>> -> memref<624x128xf32, #tpu.memory_space<hbm>>
        tpu.enqueue_dma source(%dma_start3A_36 : memref<624x128xf32, #tpu.memory_space<hbm>>) target(%dma_start3A_34 : memref<624x128xf32, #tpu.memory_space<vmem_shared>>) target_semaphore(%run_scoped3A : memref<!tpu.dma_semaphore, #tpu.memory_space<semaphore_mem>>)
        %dma_wait3A = arith.constant 0 : i32
        %dma_wait3A_37 = tpu.memref_slice %arg16[%multiple_of3A, %dma_wait3A] : memref<10000x128xf32, #tpu.memory_space<vmem_shared>> -> memref<624x128xf32, #tpu.memory_space<vmem_shared>>
        %dma_wait3A_38 = arith.constant 0 : i32
        %dma_wait3A_39 = tpu.memref_slice %arg7[%multiple_of3A, %dma_wait3A_38] : memref<10000x128xf32, #tpu.memory_space<hbm>> -> memref<624x128xf32, #tpu.memory_space<hbm>>
        tpu.wait_dma2 semaphore(%run_scoped3A : memref<!tpu.dma_semaphore, #tpu.memory_space<semaphore_mem>>) src(%dma_wait3A_39 : memref<624x128xf32, #tpu.memory_space<hbm>>) dst(%dma_wait3A_37 : memref<624x128xf32, #tpu.memory_space<vmem_shared>>)
        tpu.yield
      }) : () -> ()
    } else {
    }
    %eq3A = arith.constant 15 : i32
    %eq3A_14 = arith.cmpi eq, %arg1, %eq3A : i32
    %convert_element_type3A_15 = arith.extui %eq3A_14 : i1 to i32
    %cond3A_16 = arith.constant 0 : i32
    %cond3A_17 = arith.cmpi ne, %convert_element_type3A_15, %cond3A_16 : i32
    scf.if %cond3A_17 {
      "tpu.region"() ({
        %run_scoped3A = tpu.sem_alloc : memref<!tpu.dma_semaphore, #tpu.memory_space<semaphore_mem>>
        %dma_start3A = arith.constant 9360 : i32
        %dma_start3A_34 = arith.constant 0 : i32
        %dma_start3A_35 = tpu.memref_slice %arg16[%dma_start3A, %dma_start3A_34] : memref<10000x128xf32, #tpu.memory_space<vmem_shared>> -> memref<640x128xf32, #tpu.memory_space<vmem_shared>>
        %dma_start3A_36 = arith.constant 9360 : i32
        %dma_start3A_37 = arith.constant 0 : i32
        %dma_start3A_38 = tpu.memref_slice %arg7[%dma_start3A_36, %dma_start3A_37] : memref<10000x128xf32, #tpu.memory_space<hbm>> -> memref<640x128xf32, #tpu.memory_space<hbm>>
        tpu.enqueue_dma source(%dma_start3A_38 : memref<640x128xf32, #tpu.memory_space<hbm>>) target(%dma_start3A_35 : memref<640x128xf32, #tpu.memory_space<vmem_shared>>) target_semaphore(%run_scoped3A : memref<!tpu.dma_semaphore, #tpu.memory_space<semaphore_mem>>)
        %dma_wait3A = arith.constant 9360 : i32
        %dma_wait3A_39 = arith.constant 0 : i32
        %dma_wait3A_40 = tpu.memref_slice %arg16[%dma_wait3A, %dma_wait3A_39] : memref<10000x128xf32, #tpu.memory_space<vmem_shared>> -> memref<640x128xf32, #tpu.memory_space<vmem_shared>>
        %dma_wait3A_41 = arith.constant 9360 : i32
        %dma_wait3A_42 = arith.constant 0 : i32
        %dma_wait3A_43 = tpu.memref_slice %arg7[%dma_wait3A_41, %dma_wait3A_42] : memref<10000x128xf32, #tpu.memory_space<hbm>> -> memref<640x128xf32, #tpu.memory_space<hbm>>
        tpu.wait_dma2 semaphore(%run_scoped3A : memref<!tpu.dma_semaphore, #tpu.memory_space<semaphore_mem>>) src(%dma_wait3A_43 : memref<640x128xf32, #tpu.memory_space<hbm>>) dst(%dma_wait3A_40 : memref<640x128xf32, #tpu.memory_space<vmem_shared>>)
        tpu.yield
      }) : () -> ()
    } else {
    }
    %barrier3A = arith.constant 0 : index
    tpu.barrier barrier_id(%barrier3A)
    %scan3A = arith.constant 0 : i32
    %scan3A_18 = arith.constant 0 : i32
    %scan3A_19 = arith.constant 79 : i32
    %scan3A_20 = arith.addi %scan3A_18, %scan3A_19 : i32
    %scan3A_21 = arith.constant 1 : i32
    scf.for %scan3A_34 = %scan3A_18 to %scan3A_20 step %scan3A_21  : i32 {
      %lt3A_35 = arith.cmpi slt, %scan3A_34, %add3A_8 : i32
      %convert_element_type3A_36 = arith.extui %lt3A_35 : i1 to i32
      %cond3A_37 = arith.constant 0 : i32
      %cond3A_38 = arith.cmpi ne, %convert_element_type3A_36, %cond3A_37 : i32
      scf.if %cond3A_38 {
        %add3A_39 = arith.addi %add3A_4, %scan3A_34 : i32
        "tpu.region"() ({
          %run_scoped3A = tpu.sem_alloc : memref<!tpu.dma_semaphore, #tpu.memory_space<semaphore_mem>>
          %dma_start3A_56 = arith.constant 0 : i32
          %dma_start3A_57 = tpu.memref_slice %arg4[%add3A_39, %dma_start3A_56] : memref<2500x128xi32, #tpu.memory_space<hbm>> -> memref<1x128xi32, #tpu.memory_space<hbm>>
          %dma_start3A_58 = tpu.memref_squeeze %dma_start3A_57 : memref<1x128xi32, #tpu.memory_space<hbm>> -> memref<128xi32, #tpu.memory_space<hbm>>
          %dma_start3A_59 = arith.constant 0 : i32
          %dma_start3A_60 = tpu.memref_slice %arg4[%add3A_39, %dma_start3A_59] : memref<2500x128xi32, #tpu.memory_space<hbm>> -> memref<1x128xi32, #tpu.memory_space<hbm>>
          %dma_start3A_61 = tpu.memref_squeeze %dma_start3A_60 : memref<1x128xi32, #tpu.memory_space<hbm>> -> memref<128xi32, #tpu.memory_space<hbm>>
          tpu.enqueue_dma source(%dma_start3A_61 : memref<128xi32, #tpu.memory_space<hbm>>) target(%arg9 : memref<128xi32, #tpu.memory_space<vmem>>) target_semaphore(%run_scoped3A : memref<!tpu.dma_semaphore, #tpu.memory_space<semaphore_mem>>)
          %dma_wait3A_62 = arith.constant 0 : i32
          %dma_wait3A_63 = tpu.memref_slice %arg4[%add3A_39, %dma_wait3A_62] : memref<2500x128xi32, #tpu.memory_space<hbm>> -> memref<1x128xi32, #tpu.memory_space<hbm>>
          %dma_wait3A_64 = tpu.memref_squeeze %dma_wait3A_63 : memref<1x128xi32, #tpu.memory_space<hbm>> -> memref<128xi32, #tpu.memory_space<hbm>>
          %dma_wait3A_65 = arith.constant 0 : i32
          %dma_wait3A_66 = tpu.memref_slice %arg4[%add3A_39, %dma_wait3A_65] : memref<2500x128xi32, #tpu.memory_space<hbm>> -> memref<1x128xi32, #tpu.memory_space<hbm>>
          %dma_wait3A_67 = tpu.memref_squeeze %dma_wait3A_66 : memref<1x128xi32, #tpu.memory_space<hbm>> -> memref<128xi32, #tpu.memory_space<hbm>>
          tpu.wait_dma2 semaphore(%run_scoped3A : memref<!tpu.dma_semaphore, #tpu.memory_space<semaphore_mem>>) src(%dma_wait3A_67 : memref<128xi32, #tpu.memory_space<hbm>>) dst(%arg9 : memref<128xi32, #tpu.memory_space<vmem>>)
          tpu.yield
        }) : () -> ()
        "tpu.region"() ({
          %run_scoped3A = tpu.sem_alloc : memref<!tpu.dma_semaphore, #tpu.memory_space<semaphore_mem>>
          %dma_start3A_56 = arith.constant 0 : i32
          %dma_start3A_57 = tpu.memref_slice %arg5[%add3A_39, %dma_start3A_56] : memref<2500x128xi32, #tpu.memory_space<hbm>> -> memref<1x128xi32, #tpu.memory_space<hbm>>
          %dma_start3A_58 = tpu.memref_squeeze %dma_start3A_57 : memref<1x128xi32, #tpu.memory_space<hbm>> -> memref<128xi32, #tpu.memory_space<hbm>>
          %dma_start3A_59 = arith.constant 0 : i32
          %dma_start3A_60 = tpu.memref_slice %arg5[%add3A_39, %dma_start3A_59] : memref<2500x128xi32, #tpu.memory_space<hbm>> -> memref<1x128xi32, #tpu.memory_space<hbm>>
          %dma_start3A_61 = tpu.memref_squeeze %dma_start3A_60 : memref<1x128xi32, #tpu.memory_space<hbm>> -> memref<128xi32, #tpu.memory_space<hbm>>
          tpu.enqueue_dma source(%dma_start3A_61 : memref<128xi32, #tpu.memory_space<hbm>>) target(%arg10 : memref<128xi32, #tpu.memory_space<vmem>>) target_semaphore(%run_scoped3A : memref<!tpu.dma_semaphore, #tpu.memory_space<semaphore_mem>>)
          %dma_wait3A_62 = arith.constant 0 : i32
          %dma_wait3A_63 = tpu.memref_slice %arg5[%add3A_39, %dma_wait3A_62] : memref<2500x128xi32, #tpu.memory_space<hbm>> -> memref<1x128xi32, #tpu.memory_space<hbm>>
          %dma_wait3A_64 = tpu.memref_squeeze %dma_wait3A_63 : memref<1x128xi32, #tpu.memory_space<hbm>> -> memref<128xi32, #tpu.memory_space<hbm>>
          %dma_wait3A_65 = arith.constant 0 : i32
          %dma_wait3A_66 = tpu.memref_slice %arg5[%add3A_39, %dma_wait3A_65] : memref<2500x128xi32, #tpu.memory_space<hbm>> -> memref<1x128xi32, #tpu.memory_space<hbm>>
          %dma_wait3A_67 = tpu.memref_squeeze %dma_wait3A_66 : memref<1x128xi32, #tpu.memory_space<hbm>> -> memref<128xi32, #tpu.memory_space<hbm>>
          tpu.wait_dma2 semaphore(%run_scoped3A : memref<!tpu.dma_semaphore, #tpu.memory_space<semaphore_mem>>) src(%dma_wait3A_67 : memref<128xi32, #tpu.memory_space<hbm>>) dst(%arg10 : memref<128xi32, #tpu.memory_space<vmem>>)
          tpu.yield
        }) : () -> ()
        "tpu.region"() ({
          %run_scoped3A = tpu.sem_alloc : memref<!tpu.dma_semaphore, #tpu.memory_space<semaphore_mem>>
          %dma_start3A_56 = arith.constant 0 : i32
          %dma_start3A_57 = tpu.memref_slice %arg6[%add3A_39, %dma_start3A_56] : memref<2500x128xi32, #tpu.memory_space<hbm>> -> memref<1x128xi32, #tpu.memory_space<hbm>>
          %dma_start3A_58 = tpu.memref_squeeze %dma_start3A_57 : memref<1x128xi32, #tpu.memory_space<hbm>> -> memref<128xi32, #tpu.memory_space<hbm>>
          %dma_start3A_59 = arith.constant 0 : i32
          %dma_start3A_60 = tpu.memref_slice %arg6[%add3A_39, %dma_start3A_59] : memref<2500x128xi32, #tpu.memory_space<hbm>> -> memref<1x128xi32, #tpu.memory_space<hbm>>
          %dma_start3A_61 = tpu.memref_squeeze %dma_start3A_60 : memref<1x128xi32, #tpu.memory_space<hbm>> -> memref<128xi32, #tpu.memory_space<hbm>>
          tpu.enqueue_dma source(%dma_start3A_61 : memref<128xi32, #tpu.memory_space<hbm>>) target(%arg11 : memref<128xi32, #tpu.memory_space<vmem>>) target_semaphore(%run_scoped3A : memref<!tpu.dma_semaphore, #tpu.memory_space<semaphore_mem>>)
          %dma_wait3A_62 = arith.constant 0 : i32
          %dma_wait3A_63 = tpu.memref_slice %arg6[%add3A_39, %dma_wait3A_62] : memref<2500x128xi32, #tpu.memory_space<hbm>> -> memref<1x128xi32, #tpu.memory_space<hbm>>
          %dma_wait3A_64 = tpu.memref_squeeze %dma_wait3A_63 : memref<1x128xi32, #tpu.memory_space<hbm>> -> memref<128xi32, #tpu.memory_space<hbm>>
          %dma_wait3A_65 = arith.constant 0 : i32
          %dma_wait3A_66 = tpu.memref_slice %arg6[%add3A_39, %dma_wait3A_65] : memref<2500x128xi32, #tpu.memory_space<hbm>> -> memref<1x128xi32, #tpu.memory_space<hbm>>
          %dma_wait3A_67 = tpu.memref_squeeze %dma_wait3A_66 : memref<1x128xi32, #tpu.memory_space<hbm>> -> memref<128xi32, #tpu.memory_space<hbm>>
          tpu.wait_dma2 semaphore(%run_scoped3A : memref<!tpu.dma_semaphore, #tpu.memory_space<semaphore_mem>>) src(%dma_wait3A_67 : memref<128xi32, #tpu.memory_space<hbm>>) dst(%arg11 : memref<128xi32, #tpu.memory_space<vmem>>)
          tpu.yield
        }) : () -> ()
        %dma_start3A = arith.constant 0 : i32
        %dma_start3A_40 = arith.constant 0 : i32
        %dma_start3A_41 = tpu.memref_slice %arg3[%dma_start3A, %dma_start3A_40] : memref<320000x128xf32, #tpu.memory_space<hbm>> -> memref<320000x128xf32, #tpu.memory_space<hbm>>
        tpu.enqueue_indirect_dma source(%dma_start3A_41 : memref<320000x128xf32, #tpu.memory_space<hbm>>) target(%arg12 : memref<128x128xf32, #tpu.memory_space<vmem>>) offsets(%arg11 : memref<128xi32, #tpu.memory_space<vmem>>) semaphore(%arg15 : memref<!tpu.dma_semaphore, #tpu.memory_space<semaphore_mem>>)
        %dma_start3A_42 = arith.constant 0 : i32
        %dma_start3A_43 = arith.constant 0 : i32
        %dma_start3A_44 = tpu.memref_slice %arg2[%dma_start3A_42, %dma_start3A_43] : memref<10000x128xf32, #tpu.memory_space<hbm>> -> memref<10000x128xf32, #tpu.memory_space<hbm>>
        tpu.enqueue_indirect_dma source(%dma_start3A_44 : memref<10000x128xf32, #tpu.memory_space<hbm>>) target(%arg13 : memref<128x128xf32, #tpu.memory_space<vmem>>) offsets(%arg9 : memref<128xi32, #tpu.memory_space<vmem>>) semaphore(%arg14 : memref<!tpu.dma_semaphore, #tpu.memory_space<semaphore_mem>>)
        %dma_wait3A = arith.constant 0 : i32
        %dma_wait3A_45 = arith.constant 0 : i32
        %dma_wait3A_46 = tpu.memref_slice %arg3[%dma_wait3A, %dma_wait3A_45] : memref<320000x128xf32, #tpu.memory_space<hbm>> -> memref<320000x128xf32, #tpu.memory_space<hbm>>
        tpu.wait_indirect_dma semaphore(%arg15 : memref<!tpu.dma_semaphore, #tpu.memory_space<semaphore_mem>>) src(%dma_wait3A_46 : memref<320000x128xf32, #tpu.memory_space<hbm>>) dst(%arg12 : memref<128x128xf32, #tpu.memory_space<vmem>>)
        %dma_wait3A_47 = arith.constant 0 : i32
        %dma_wait3A_48 = arith.constant 0 : i32
        %dma_wait3A_49 = tpu.memref_slice %arg2[%dma_wait3A_47, %dma_wait3A_48] : memref<10000x128xf32, #tpu.memory_space<hbm>> -> memref<10000x128xf32, #tpu.memory_space<hbm>>
        tpu.wait_indirect_dma semaphore(%arg14 : memref<!tpu.dma_semaphore, #tpu.memory_space<semaphore_mem>>) src(%dma_wait3A_49 : memref<10000x128xf32, #tpu.memory_space<hbm>>) dst(%arg13 : memref<128x128xf32, #tpu.memory_space<vmem>>)
        %scan3A_50 = arith.constant 0 : i32
        %scan3A_51 = arith.constant 0 : i32
        %scan3A_52 = arith.constant 128 : i32
        %scan3A_53 = arith.addi %scan3A_51, %scan3A_52 : i32
        %scan3A_54 = arith.constant 1 : i32
        scf.for %scan3A_56 = %scan3A_51 to %scan3A_53 step %scan3A_54  : i32 {
          %get3A = arith.index_cast %scan3A_56 : i32 to index
          %get3A_57 = arith.constant 0 : index
          %get3A_58 = tpu.vector_load %arg12[%get3A, %get3A_57] {strides = array<i32>} : memref<128x128xf32, #tpu.memory_space<vmem>>, vector<1x16xf32>,
          %get3A_59 = vector.shape_cast %get3A_58 : vector<1x16xf32> to vector<16xf32>
          %get3A_60 = arith.index_cast %scan3A_56 : i32 to index
          %get3A_61 = arith.constant 0 : index
          %get3A_62 = tpu.vector_load %arg13[%get3A_60, %get3A_61] {strides = array<i32>} : memref<128x128xf32, #tpu.memory_space<vmem>>, vector<1x16xf32>,
          %get3A_63 = vector.shape_cast %get3A_62 : vector<1x16xf32> to vector<16xf32>
          %add3A_64 = arith.addf %get3A_59, %get3A_63 : vector<16xf32>
          %max3A = arith.constant 0.000000e+00 : f32
          %max3A_65 = vector.broadcast %max3A : f32 to vector<16xf32>
          %max3A_66 = arith.maximumf %add3A_64, %max3A_65 : vector<16xf32>
          %swap3A = arith.index_cast %scan3A_56 : i32 to index
          %swap3A_67 = arith.constant 0 : index
          %swap3A_68 = tpu.vector_load %arg12[%swap3A, %swap3A_67] {strides = array<i32>} : memref<128x128xf32, #tpu.memory_space<vmem>>, vector<1x16xf32>,
          %swap3A_69 = vector.shape_cast %swap3A_68 : vector<1x16xf32> to vector<16xf32>
          %swap3A_70 = vector.shape_cast %max3A_66 : vector<16xf32> to vector<1x16xf32>
          tpu.vector_store %arg12[%swap3A, %swap3A_67], %swap3A_70 {strides = array<i32>} : memref<128x128xf32, #tpu.memory_space<vmem>>, vector<1x16xf32>,
          %get3A_71 = arith.index_cast %scan3A_56 : i32 to index
          %get3A_72 = arith.constant 16 : index
          %get3A_73 = tpu.vector_load %arg12[%get3A_71, %get3A_72] {strides = array<i32>} : memref<128x128xf32, #tpu.memory_space<vmem>>, vector<1x16xf32>,
          %get3A_74 = vector.shape_cast %get3A_73 : vector<1x16xf32> to vector<16xf32>
          %get3A_75 = arith.index_cast %scan3A_56 : i32 to index
          %get3A_76 = arith.constant 16 : index
          %get3A_77 = tpu.vector_load %arg13[%get3A_75, %get3A_76] {strides = array<i32>} : memref<128x128xf32, #tpu.memory_space<vmem>>, vector<1x16xf32>,
          %get3A_78 = vector.shape_cast %get3A_77 : vector<1x16xf32> to vector<16xf32>
          %add3A_79 = arith.addf %get3A_74, %get3A_78 : vector<16xf32>
          %max3A_80 = arith.constant 0.000000e+00 : f32
          %max3A_81 = vector.broadcast %max3A_80 : f32 to vector<16xf32>
          %max3A_82 = arith.maximumf %add3A_79, %max3A_81 : vector<16xf32>
          %swap3A_83 = arith.index_cast %scan3A_56 : i32 to index
          %swap3A_84 = arith.constant 16 : index
          %swap3A_85 = tpu.vector_load %arg12[%swap3A_83, %swap3A_84] {strides = array<i32>} : memref<128x128xf32, #tpu.memory_space<vmem>>, vector<1x16xf32>,
          %swap3A_86 = vector.shape_cast %swap3A_85 : vector<1x16xf32> to vector<16xf32>
          %swap3A_87 = vector.shape_cast %max3A_82 : vector<16xf32> to vector<1x16xf32>
          tpu.vector_store %arg12[%swap3A_83, %swap3A_84], %swap3A_87 {strides = array<i32>} : memref<128x128xf32, #tpu.memory_space<vmem>>, vector<1x16xf32>,
          %get3A_88 = arith.index_cast %scan3A_56 : i32 to index
          %get3A_89 = arith.constant 32 : index
          %get3A_90 = tpu.vector_load %arg12[%get3A_88, %get3A_89] {strides = array<i32>} : memref<128x128xf32, #tpu.memory_space<vmem>>, vector<1x16xf32>,
          %get3A_91 = vector.shape_cast %get3A_90 : vector<1x16xf32> to vector<16xf32>
          %get3A_92 = arith.index_cast %scan3A_56 : i32 to index
          %get3A_93 = arith.constant 32 : index
          %get3A_94 = tpu.vector_load %arg13[%get3A_92, %get3A_93] {strides = array<i32>} : memref<128x128xf32, #tpu.memory_space<vmem>>, vector<1x16xf32>,
          %get3A_95 = vector.shape_cast %get3A_94 : vector<1x16xf32> to vector<16xf32>
          %add3A_96 = arith.addf %get3A_91, %get3A_95 : vector<16xf32>
          %max3A_97 = arith.constant 0.000000e+00 : f32
          %max3A_98 = vector.broadcast %max3A_97 : f32 to vector<16xf32>
          %max3A_99 = arith.maximumf %add3A_96, %max3A_98 : vector<16xf32>
          %swap3A_100 = arith.index_cast %scan3A_56 : i32 to index
          %swap3A_101 = arith.constant 32 : index
          %swap3A_102 = tpu.vector_load %arg12[%swap3A_100, %swap3A_101] {strides = array<i32>} : memref<128x128xf32, #tpu.memory_space<vmem>>, vector<1x16xf32>,
          %swap3A_103 = vector.shape_cast %swap3A_102 : vector<1x16xf32> to vector<16xf32>
          %swap3A_104 = vector.shape_cast %max3A_99 : vector<16xf32> to vector<1x16xf32>
          tpu.vector_store %arg12[%swap3A_100, %swap3A_101], %swap3A_104 {strides = array<i32>} : memref<128x128xf32, #tpu.memory_space<vmem>>, vector<1x16xf32>,
          %get3A_105 = arith.index_cast %scan3A_56 : i32 to index
          %get3A_106 = arith.constant 48 : index
          %get3A_107 = tpu.vector_load %arg12[%get3A_105, %get3A_106] {strides = array<i32>} : memref<128x128xf32, #tpu.memory_space<vmem>>, vector<1x16xf32>,
          %get3A_108 = vector.shape_cast %get3A_107 : vector<1x16xf32> to vector<16xf32>
          %get3A_109 = arith.index_cast %scan3A_56 : i32 to index
          %get3A_110 = arith.constant 48 : index
          %get3A_111 = tpu.vector_load %arg13[%get3A_109, %get3A_110] {strides = array<i32>} : memref<128x128xf32, #tpu.memory_space<vmem>>, vector<1x16xf32>,
          %get3A_112 = vector.shape_cast %get3A_111 : vector<1x16xf32> to vector<16xf32>
          %add3A_113 = arith.addf %get3A_108, %get3A_112 : vector<16xf32>
          %max3A_114 = arith.constant 0.000000e+00 : f32
          %max3A_115 = vector.broadcast %max3A_114 : f32 to vector<16xf32>
          %max3A_116 = arith.maximumf %add3A_113, %max3A_115 : vector<16xf32>
          %swap3A_117 = arith.index_cast %scan3A_56 : i32 to index
          %swap3A_118 = arith.constant 48 : index
          %swap3A_119 = tpu.vector_load %arg12[%swap3A_117, %swap3A_118] {strides = array<i32>} : memref<128x128xf32, #tpu.memory_space<vmem>>, vector<1x16xf32>,
          %swap3A_120 = vector.shape_cast %swap3A_119 : vector<1x16xf32> to vector<16xf32>
          %swap3A_121 = vector.shape_cast %max3A_116 : vector<16xf32> to vector<1x16xf32>
          tpu.vector_store %arg12[%swap3A_117, %swap3A_118], %swap3A_121 {strides = array<i32>} : memref<128x128xf32, #tpu.memory_space<vmem>>, vector<1x16xf32>,
          %get3A_122 = arith.index_cast %scan3A_56 : i32 to index
          %get3A_123 = arith.constant 64 : index
          %get3A_124 = tpu.vector_load %arg12[%get3A_122, %get3A_123] {strides = array<i32>} : memref<128x128xf32, #tpu.memory_space<vmem>>, vector<1x16xf32>,
          %get3A_125 = vector.shape_cast %get3A_124 : vector<1x16xf32> to vector<16xf32>
          %get3A_126 = arith.index_cast %scan3A_56 : i32 to index
          %get3A_127 = arith.constant 64 : index
          %get3A_128 = tpu.vector_load %arg13[%get3A_126, %get3A_127] {strides = array<i32>} : memref<128x128xf32, #tpu.memory_space<vmem>>, vector<1x16xf32>,
          %get3A_129 = vector.shape_cast %get3A_128 : vector<1x16xf32> to vector<16xf32>
          %add3A_130 = arith.addf %get3A_125, %get3A_129 : vector<16xf32>
          %max3A_131 = arith.constant 0.000000e+00 : f32
          %max3A_132 = vector.broadcast %max3A_131 : f32 to vector<16xf32>
          %max3A_133 = arith.maximumf %add3A_130, %max3A_132 : vector<16xf32>
          %swap3A_134 = arith.index_cast %scan3A_56 : i32 to index
          %swap3A_135 = arith.constant 64 : index
          %swap3A_136 = tpu.vector_load %arg12[%swap3A_134, %swap3A_135] {strides = array<i32>} : memref<128x128xf32, #tpu.memory_space<vmem>>, vector<1x16xf32>,
          %swap3A_137 = vector.shape_cast %swap3A_136 : vector<1x16xf32> to vector<16xf32>
          %swap3A_138 = vector.shape_cast %max3A_133 : vector<16xf32> to vector<1x16xf32>
          tpu.vector_store %arg12[%swap3A_134, %swap3A_135], %swap3A_138 {strides = array<i32>} : memref<128x128xf32, #tpu.memory_space<vmem>>, vector<1x16xf32>,
          %get3A_139 = arith.index_cast %scan3A_56 : i32 to index
          %get3A_140 = arith.constant 80 : index
          %get3A_141 = tpu.vector_load %arg12[%get3A_139, %get3A_140] {strides = array<i32>} : memref<128x128xf32, #tpu.memory_space<vmem>>, vector<1x16xf32>,
          %get3A_142 = vector.shape_cast %get3A_141 : vector<1x16xf32> to vector<16xf32>
          %get3A_143 = arith.index_cast %scan3A_56 : i32 to index
          %get3A_144 = arith.constant 80 : index
          %get3A_145 = tpu.vector_load %arg13[%get3A_143, %get3A_144] {strides = array<i32>} : memref<128x128xf32, #tpu.memory_space<vmem>>, vector<1x16xf32>,
          %get3A_146 = vector.shape_cast %get3A_145 : vector<1x16xf32> to vector<16xf32>
          %add3A_147 = arith.addf %get3A_142, %get3A_146 : vector<16xf32>
          %max3A_148 = arith.constant 0.000000e+00 : f32
          %max3A_149 = vector.broadcast %max3A_148 : f32 to vector<16xf32>
          %max3A_150 = arith.maximumf %add3A_147, %max3A_149 : vector<16xf32>
          %swap3A_151 = arith.index_cast %scan3A_56 : i32 to index
          %swap3A_152 = arith.constant 80 : index
          %swap3A_153 = tpu.vector_load %arg12[%swap3A_151, %swap3A_152] {strides = array<i32>} : memref<128x128xf32, #tpu.memory_space<vmem>>, vector<1x16xf32>,
          %swap3A_154 = vector.shape_cast %swap3A_153 : vector<1x16xf32> to vector<16xf32>
          %swap3A_155 = vector.shape_cast %max3A_150 : vector<16xf32> to vector<1x16xf32>
          tpu.vector_store %arg12[%swap3A_151, %swap3A_152], %swap3A_155 {strides = array<i32>} : memref<128x128xf32, #tpu.memory_space<vmem>>, vector<1x16xf32>,
          %get3A_156 = arith.index_cast %scan3A_56 : i32 to index
          %get3A_157 = arith.constant 96 : index
          %get3A_158 = tpu.vector_load %arg12[%get3A_156, %get3A_157] {strides = array<i32>} : memref<128x128xf32, #tpu.memory_space<vmem>>, vector<1x16xf32>,
          %get3A_159 = vector.shape_cast %get3A_158 : vector<1x16xf32> to vector<16xf32>
          %get3A_160 = arith.index_cast %scan3A_56 : i32 to index
          %get3A_161 = arith.constant 96 : index
          %get3A_162 = tpu.vector_load %arg13[%get3A_160, %get3A_161] {strides = array<i32>} : memref<128x128xf32, #tpu.memory_space<vmem>>, vector<1x16xf32>,
          %get3A_163 = vector.shape_cast %get3A_162 : vector<1x16xf32> to vector<16xf32>
          %add3A_164 = arith.addf %get3A_159, %get3A_163 : vector<16xf32>
          %max3A_165 = arith.constant 0.000000e+00 : f32
          %max3A_166 = vector.broadcast %max3A_165 : f32 to vector<16xf32>
          %max3A_167 = arith.maximumf %add3A_164, %max3A_166 : vector<16xf32>
          %swap3A_168 = arith.index_cast %scan3A_56 : i32 to index
          %swap3A_169 = arith.constant 96 : index
          %swap3A_170 = tpu.vector_load %arg12[%swap3A_168, %swap3A_169] {strides = array<i32>} : memref<128x128xf32, #tpu.memory_space<vmem>>, vector<1x16xf32>,
          %swap3A_171 = vector.shape_cast %swap3A_170 : vector<1x16xf32> to vector<16xf32>
          %swap3A_172 = vector.shape_cast %max3A_167 : vector<16xf32> to vector<1x16xf32>
          tpu.vector_store %arg12[%swap3A_168, %swap3A_169], %swap3A_172 {strides = array<i32>} : memref<128x128xf32, #tpu.memory_space<vmem>>, vector<1x16xf32>,
          %get3A_173 = arith.index_cast %scan3A_56 : i32 to index
          %get3A_174 = arith.constant 112 : index
          %get3A_175 = tpu.vector_load %arg12[%get3A_173, %get3A_174] {strides = array<i32>} : memref<128x128xf32, #tpu.memory_space<vmem>>, vector<1x16xf32>,
          %get3A_176 = vector.shape_cast %get3A_175 : vector<1x16xf32> to vector<16xf32>
          %get3A_177 = arith.index_cast %scan3A_56 : i32 to index
          %get3A_178 = arith.constant 112 : index
          %get3A_179 = tpu.vector_load %arg13[%get3A_177, %get3A_178] {strides = array<i32>} : memref<128x128xf32, #tpu.memory_space<vmem>>, vector<1x16xf32>,
          %get3A_180 = vector.shape_cast %get3A_179 : vector<1x16xf32> to vector<16xf32>
          %add3A_181 = arith.addf %get3A_176, %get3A_180 : vector<16xf32>
          %max3A_182 = arith.constant 0.000000e+00 : f32
          %max3A_183 = vector.broadcast %max3A_182 : f32 to vector<16xf32>
          %max3A_184 = arith.maximumf %add3A_181, %max3A_183 : vector<16xf32>
          %swap3A_185 = arith.index_cast %scan3A_56 : i32 to index
          %swap3A_186 = arith.constant 112 : index
          %swap3A_187 = tpu.vector_load %arg12[%swap3A_185, %swap3A_186] {strides = array<i32>} : memref<128x128xf32, #tpu.memory_space<vmem>>, vector<1x16xf32>,
          %swap3A_188 = vector.shape_cast %swap3A_187 : vector<1x16xf32> to vector<16xf32>
          %swap3A_189 = vector.shape_cast %max3A_184 : vector<16xf32> to vector<1x16xf32>
          tpu.vector_store %arg12[%swap3A_185, %swap3A_186], %swap3A_189 {strides = array<i32>} : memref<128x128xf32, #tpu.memory_space<vmem>>, vector<1x16xf32>,
        }
        %scan3A_55 = arith.constant 128 : i32
        "tpu.region"() ({
          %run_scoped3A = tpu.sem_alloc : memref<!tpu.dma_semaphore, #tpu.memory_space<semaphore_mem>>
          %dma_start3A_56 = arith.constant 0 : i32
          %dma_start3A_57 = arith.constant 0 : i32
          %dma_start3A_58 = tpu.memref_slice %arg16[%dma_start3A_56, %dma_start3A_57] : memref<10000x128xf32, #tpu.memory_space<vmem_shared>> -> memref<10000x128xf32, #tpu.memory_space<vmem_shared>>
          tpu.enqueue_indirect_dma source(%arg12 : memref<128x128xf32, #tpu.memory_space<vmem>>) target(%dma_start3A_58 : memref<10000x128xf32, #tpu.memory_space<vmem_shared>>) offsets(%arg10 : memref<128xi32, #tpu.memory_space<vmem>>) semaphore(%run_scoped3A : memref<!tpu.dma_semaphore, #tpu.memory_space<semaphore_mem>>) {add = true}
          %dma_wait3A_59 = arith.constant 0 : i32
          %dma_wait3A_60 = arith.constant 0 : i32
          %dma_wait3A_61 = tpu.memref_slice %arg16[%dma_wait3A_59, %dma_wait3A_60] : memref<10000x128xf32, #tpu.memory_space<vmem_shared>> -> memref<10000x128xf32, #tpu.memory_space<vmem_shared>>
          tpu.wait_indirect_dma semaphore(%run_scoped3A : memref<!tpu.dma_semaphore, #tpu.memory_space<semaphore_mem>>) src(%arg12 : memref<128x128xf32, #tpu.memory_space<vmem>>) dst(%dma_wait3A_61 : memref<10000x128xf32, #tpu.memory_space<vmem_shared>>)
          tpu.yield
        }) : () -> ()
      } else {
      }
    }
    %scan3A_22 = arith.constant 79 : i32
    %barrier3A_23 = arith.constant 0 : index
    tpu.barrier barrier_id(%barrier3A_23)
    %lt3A_24 = arith.constant 15 : i32
    %lt3A_25 = arith.cmpi slt, %arg1, %lt3A_24 : i32
    %convert_element_type3A_26 = arith.extui %lt3A_25 : i1 to i32
    %cond3A_27 = arith.constant 0 : i32
    %cond3A_28 = arith.cmpi ne, %convert_element_type3A_26, %cond3A_27 : i32
    scf.if %cond3A_28 {
      "tpu.region"() ({
        %run_scoped3A = tpu.sem_alloc : memref<!tpu.dma_semaphore, #tpu.memory_space<semaphore_mem>>
        %dma_start3A = arith.constant 0 : i32
        %dma_start3A_34 = tpu.memref_slice %arg8[%arg0, %multiple_of3A, %dma_start3A] : memref<2x10000x128xf32, #tpu.memory_space<hbm>> -> memref<1x624x128xf32, #tpu.memory_space<hbm>>
        %dma_start3A_35 = tpu.memref_squeeze %dma_start3A_34 : memref<1x624x128xf32, #tpu.memory_space<hbm>> -> memref<624x128xf32, #tpu.memory_space<hbm>>
        %dma_start3A_36 = arith.constant 0 : i32
        %dma_start3A_37 = tpu.memref_slice %arg16[%multiple_of3A, %dma_start3A_36] : memref<10000x128xf32, #tpu.memory_space<vmem_shared>> -> memref<624x128xf32, #tpu.memory_space<vmem_shared>>
        tpu.enqueue_dma source(%dma_start3A_37 : memref<624x128xf32, #tpu.memory_space<vmem_shared>>) target(%dma_start3A_35 : memref<624x128xf32, #tpu.memory_space<hbm>>) target_semaphore(%run_scoped3A : memref<!tpu.dma_semaphore, #tpu.memory_space<semaphore_mem>>)
        %dma_wait3A = arith.constant 0 : i32
        %dma_wait3A_38 = tpu.memref_slice %arg8[%arg0, %multiple_of3A, %dma_wait3A] : memref<2x10000x128xf32, #tpu.memory_space<hbm>> -> memref<1x624x128xf32, #tpu.memory_space<hbm>>
        %dma_wait3A_39 = tpu.memref_squeeze %dma_wait3A_38 : memref<1x624x128xf32, #tpu.memory_space<hbm>> -> memref<624x128xf32, #tpu.memory_space<hbm>>
        %dma_wait3A_40 = arith.constant 0 : i32
        %dma_wait3A_41 = tpu.memref_slice %arg16[%multiple_of3A, %dma_wait3A_40] : memref<10000x128xf32, #tpu.memory_space<vmem_shared>> -> memref<624x128xf32, #tpu.memory_space<vmem_shared>>
        tpu.wait_dma2 semaphore(%run_scoped3A : memref<!tpu.dma_semaphore, #tpu.memory_space<semaphore_mem>>) src(%dma_wait3A_41 : memref<624x128xf32, #tpu.memory_space<vmem_shared>>) dst(%dma_wait3A_39 : memref<624x128xf32, #tpu.memory_space<hbm>>)
        tpu.yield
      }) : () -> ()
    } else {
    }
    %eq3A_29 = arith.constant 15 : i32
    %eq3A_30 = arith.cmpi eq, %arg1, %eq3A_29 : i32
    %convert_element_type3A_31 = arith.extui %eq3A_30 : i1 to i32
    %cond3A_32 = arith.constant 0 : i32
    %cond3A_33 = arith.cmpi ne, %convert_element_type3A_31, %cond3A_32 : i32
    scf.if %cond3A_33 {
      "tpu.region"() ({
        %run_scoped3A = tpu.sem_alloc : memref<!tpu.dma_semaphore, #tpu.memory_space<semaphore_mem>>
        %dma_start3A = arith.constant 9360 : i32
        %dma_start3A_34 = arith.constant 0 : i32
        %dma_start3A_35 = tpu.memref_slice %arg8[%arg0, %dma_start3A, %dma_start3A_34] : memref<2x10000x128xf32, #tpu.memory_space<hbm>> -> memref<1x640x128xf32, #tpu.memory_space<hbm>>
        %dma_start3A_36 = tpu.memref_squeeze %dma_start3A_35 : memref<1x640x128xf32, #tpu.memory_space<hbm>> -> memref<640x128xf32, #tpu.memory_space<hbm>>
        %dma_start3A_37 = arith.constant 9360 : i32
        %dma_start3A_38 = arith.constant 0 : i32
        %dma_start3A_39 = tpu.memref_slice %arg16[%dma_start3A_37, %dma_start3A_38] : memref<10000x128xf32, #tpu.memory_space<vmem_shared>> -> memref<640x128xf32, #tpu.memory_space<vmem_shared>>
        tpu.enqueue_dma source(%dma_start3A_39 : memref<640x128xf32, #tpu.memory_space<vmem_shared>>) target(%dma_start3A_36 : memref<640x128xf32, #tpu.memory_space<hbm>>) target_semaphore(%run_scoped3A : memref<!tpu.dma_semaphore, #tpu.memory_space<semaphore_mem>>)
        %dma_wait3A = arith.constant 9360 : i32
        %dma_wait3A_40 = arith.constant 0 : i32
        %dma_wait3A_41 = tpu.memref_slice %arg8[%arg0, %dma_wait3A, %dma_wait3A_40] : memref<2x10000x128xf32, #tpu.memory_space<hbm>> -> memref<1x640x128xf32, #tpu.memory_space<hbm>>
        %dma_wait3A_42 = tpu.memref_squeeze %dma_wait3A_41 : memref<1x640x128xf32, #tpu.memory_space<hbm>> -> memref<640x128xf32, #tpu.memory_space<hbm>>
        %dma_wait3A_43 = arith.constant 9360 : i32
        %dma_wait3A_44 = arith.constant 0 : i32
        %dma_wait3A_45 = tpu.memref_slice %arg16[%dma_wait3A_43, %dma_wait3A_44] : memref<10000x128xf32, #tpu.memory_space<vmem_shared>> -> memref<640x128xf32, #tpu.memory_space<vmem_shared>>
        tpu.wait_dma2 semaphore(%run_scoped3A : memref<!tpu.dma_semaphore, #tpu.memory_space<semaphore_mem>>) src(%dma_wait3A_45 : memref<640x128xf32, #tpu.memory_space<vmem_shared>>) dst(%dma_wait3A_42 : memref<640x128xf32, #tpu.memory_space<hbm>>)
        tpu.yield
      }) : () -> ()
    } else {
    }
    return
  }
}

</mosaic_0001>

<sc_bundles>
// kernel: _k2.3.cloned.1.call-start
scs
__scs_entry_jumppad:
0x0: {  	(pc) =	sbr.rel $0x88, $3  }
0x1: {  	(tag) =	ssettag $0x0;
	lr =	simm.s32 $0x1  }
0x2: {  	[smem:$0x3F9B] =	sst lr;
	_ =	strace $0xD0000000  }
0x3: {  	_ = 	snop  }
0x4: {  	_ = 	snop  }
0x5: {  	_ = 	snop  }
0x6: {  	_ = 	snop  }
0x7: {  	_ = 	snop  }
__scs_overlays_trampoline_lowered:
0x8: {  	[smem:$0x3FAA] =	sst s0  }
0x9: {  	[smem:$0x3FAB] =	sst s1  }
0xa: {  	[smem:$0x3FAC] =	sst s2  }
0xb: {  	[smem:$0x3FAD] =	sst s3  }
0xc: {  	[smem:$0x3FAE] =	sst s4  }
0xd: {  	[smem:$0x3FAF] =	sst s5  }
0xe: {  	[smem:$0x3FB0] =	sst s6  }
0xf: {  	[smem:$0x3FB1] =	sst s7  }
0x10: {  	[smem:$0x3FB2] =	sst s8  }
0x11: {  	[smem:$0x3FB3] =	sst s9;
	s0 =	simm.s32 @!p0 $0x0  }
0x12: {  	s1 =	sld [smem:$0x3F99];
	s0 =	simm.s32 @p0 $0x1  }
0x13: {  	[smem:$0x3FB4] =	sst s0;
	s0 =	simm.s32 @!p1 $0x0  }
0x14: {  	s2 =	sld [smem:$0x3F98];
	s0 =	simm.s32 @p1 $0x1  }
0x15: {  	[smem:$0x3FB5] =	sst s0;
	s0 =	simm.s32 @!p2 $0x0  }
0x16: {  	s3 =	sld [smem:$0x3FDB];
	s0 =	simm.s32 @p2 $0x1  }
0x17: {  	s4 =	simm.s32 $0x1BF5;
	[smem:$0x3FB7] =	sst s0  }
0x18: {  	s0 =	sld [smem:$0x3F9A];
	_ =	swait.ge [sflag:s4], $0x0  }
0x19: {  	s7 =	sld [smem:$0x3F9B]  }
0x1a: {  	s8 =	sadd.s32 $0xFFFFE003, lr  }
0x1b: {  	s9 =	sadd.s32 $0xFFFFFEF7, lr;
	s5 =	simm.s32 $0xFFFFFFFF;
	p2 =	slt.u32 s8, $0xFFFFF086  }
0x1c: {  	p1 =	slt.u32 s9, $0xF7A;
	s5 =	simm.s32 @!p2 $0x0  }
0x1d: {  	s5 =	simm.s32 @p1 $0x1;
	p0 =	seq.s32 s7, s2  }
0x1e: {  	s7 =	smul.u32 @!p0 $0xF7A, s2;
	p2 =	seq.s32 @!p0 s5, $0x0  }
0x1f: {  	s9 =	smul.u32 $0xF7A, s1;
	s8 =	simm.s32 @!p0 $0x1BF5;
	p2 =	por !p2, p0  }
0x20: {  	[sflag:s8] =	ssyncset.s32 @!p0 $0xFFFFF086;
	s6 =	sadd.s32 @!p0 s3, s7;
	s7 =	simm.s32 @!p0 $0x108  }
0x21: {  	s3 =	sadd.s32 s3, s9;
	s6 =	sadd.s32 @!p0 $0x88, s6;
	s7 =	simm.s32 @p2 $0x1082  }
0x22: {  	[simem:s7], [sflag:s8] =	dma.local @!p0 [hbm:s6], $0xF7A  }
0x23: {  	s9 =	sor.u32 $0xD0000000, s2;
	s6 =	simm.s32 $0x108;
	_ =	swait.ge @!p0 [sflag:s8], $0x0  }
0x24: {  	s3 =	sadd.s32 $0x88, s3;
	s6 =	simm.s32 @!p1 $0x1082;
	[sflag:s4] =	ssyncset.s32 $0xFFFFF086  }
0x25: {  	[simem:s6], [sflag:s4] =	dma.local [hbm:s3], $0xF7A  }
0x26: {  	[smem:$0x3F9B] =	sst s1;
	(tag) =	ssettag s2;
	_ =	strace s9  }
0x27: {  	s1 =	sld [smem:$0x3FAB]  }
0x28: {  	s2 =	sld [smem:$0x3FAC]  }
0x29: {  	s4 =	sld [smem:$0x3FAE]  }
0x2a: {  	p0 =	seq.s32 s5, $0x0;
	s5 =	sld [smem:$0x3FAF]  }
0x2b: {  	s6 =	sld [smem:$0x3FB0]  }
0x2c: {  	s7 =	sld [smem:$0x3FB1]  }
0x2d: {  	s3 =	simm.s32 $0x108;
	s8 =	sld [smem:$0x3FB2]  }
0x2e: {  	s3 =	simm.s32 @!p0 $0x1082;
	s9 =	sld [smem:$0x3FB3]  }
0x2f: {  	lr =	sadd.s32 s0, s3;
	s0 =	sld [smem:$0x3FAA]  }
0x30: {  	s3 =	sld [smem:$0x3FAD]  }
0x31: {  	[smem:$0x3FB6] =	sst s10  }
0x32: {  	s10 =	sld [smem:$0x3FB4];
	_ =	sdelay $0x3  }
0x33: {  	p0 =	seq.s32 s10, $0x1;
	s10 =	sld [smem:$0x3FB6];
	_ =	sdelay $0x3  }
0x34: {  	[smem:$0x3FB6] =	sst s10  }
0x35: {  	s10 =	sld [smem:$0x3FB5];
	_ =	sdelay $0x3  }
0x36: {  	p1 =	seq.s32 s10, $0x1;
	s10 =	sld [smem:$0x3FB6];
	_ =	sdelay $0x3  }
0x37: {  	[smem:$0x3FB6] =	sst s10  }
0x38: {  	s10 =	sld [smem:$0x3FB7]  }
0x39: {  	_ = 	snop;
	(pc) =	sbr.ind lr, $3  }
0x3a: {  	_ = 	snop  }
0x3b: {  	_ = 	snop  }
0x3c: {  	p2 =	seq.s32 s10, $0x1;
	s10 =	sld [smem:$0x3FB6]  }
0x3d: {  	_ =	shalt  }
0x3e: {  	_ =	shalt  }
0x3f: {  	_ =	shalt  }
0x40: {  	_ =	shalt  }
0x41: {  	_ =	shalt  }
0x42: {  	_ =	shalt  }
0x43: {  	_ =	shalt  }
0x44: {  	_ =	shalt  }
0x45: {  	_ =	shalt  }
0x46: {  	_ =	shalt  }
0x47: {  	_ =	shalt  }
0x48: {  	_ =	shalt  }
0x49: {  	_ =	shalt  }
0x4a: {  	_ =	shalt  }
0x4b: {  	_ =	shalt  }
0x4c: {  	_ =	shalt  }
0x4d: {  	_ =	shalt  }
0x4e: {  	_ =	shalt  }
0x4f: {  	_ =	shalt  }
0x50: {  	_ =	shalt  }
0x51: {  	_ =	shalt  }
0x52: {  	_ =	shalt  }
0x53: {  	_ =	shalt  }
0x54: {  	_ =	shalt  }
0x55: {  	_ =	shalt  }
0x56: {  	_ =	shalt  }
0x57: {  	_ =	shalt  }
0x58: {  	_ =	shalt  }
0x59: {  	_ =	shalt  }
0x5a: {  	_ =	shalt  }
0x5b: {  	_ =	shalt  }
0x5c: {  	_ =	shalt  }
0x5d: {  	_ =	shalt  }
0x5e: {  	_ =	shalt  }
0x5f: {  	_ =	shalt  }
0x60: {  	_ =	shalt  }
0x61: {  	_ =	shalt  }
0x62: {  	_ =	shalt  }
0x63: {  	_ =	shalt  }
0x64: {  	_ =	shalt  }
0x65: {  	_ =	shalt  }
0x66: {  	_ =	shalt  }
0x67: {  	_ =	shalt  }
0x68: {  	_ =	shalt  }
0x69: {  	_ =	shalt  }
0x6a: {  	_ =	shalt  }
0x6b: {  	_ =	shalt  }
0x6c: {  	_ =	shalt  }
0x6d: {  	_ =	shalt  }
0x6e: {  	_ =	shalt  }
0x6f: {  	_ =	shalt  }
0x70: {  	_ =	shalt  }
0x71: {  	_ =	shalt  }
0x72: {  	_ =	shalt  }
0x73: {  	_ =	shalt  }
0x74: {  	_ =	shalt  }
0x75: {  	_ =	shalt  }
0x76: {  	_ =	shalt  }
0x77: {  	_ =	shalt  }
0x78: {  	_ =	shalt  }
0x79: {  	_ =	shalt  }
0x7a: {  	_ =	shalt  }
0x7b: {  	_ =	shalt  }
0x7c: {  	_ =	shalt  }
0x7d: {  	_ =	shalt  }
0x7e: {  	_ =	shalt  }
0x7f: {  	_ =	shalt  }
0x80: {  	_ =	shalt  }
0x81: {  	_ =	shalt  }
0x82: {  	_ =	shalt  }
0x83: {  	_ =	shalt  }
0x84: {  	_ =	shalt  }
0x85: {  	_ =	shalt  }
0x86: {  	_ =	shalt  }
0x87: {  	_ =	shalt  }
.Lfunc_end0:
.L_simem_size_0:
called_computation_lowered:
.L_overlay_start_0:
0x88: {  	s2 =	sld [smem:$0x3FD9]  }
0x89: {  	s3 =	sld [smem:$0x3FFE];
	_ =	sdelay $0x1  }
0x8a: {  	s1 =	srdreg.scid  }
0x8b: {  	s0 =	sand.u32 $0x1, s1  }
0x8c: {  	s18 =	sshll.u32 s0, $0xA;
	s2 =	sadd.s32 s3, s2  }
0x8d: {  	s2 =	sadd.s32 s2, s18  }
0x8e: {  	[smem:$0x3FC2] =	sst s2  }
0x8f: {  	_ = 	snop  }
0x90: {  	s2 =	sld [smem:$0x3FC9]  }
0x91: {  	s19 =	sld [smem:$0x3FC8]  }
0x92: {  	s4 =	sld [smem:$0x3FC7]  }
0x93: {  	s5 =	sld [smem:$0x3FC6]  }
0x94: {  	s6 =	sld [smem:$0x3FC5]  }
0x95: {  	s7 =	sld [smem:$0x3FC4]  }
0x96: {  	s8 =	sld [smem:$0x3FD0];
	(tm) =	ssettm $0x1  }
0x97: {  	s9 =	sld [smem:$0x3FFB];
	_ =	sdelay $0x3  }
0x98: {  	_ =	strace s9  }
0x99: {  	s9 =	sld [smem:$0x3FFC];
	_ =	sdelay $0x3  }
0x9a: {  	_ =	strace s9  }
0x9b: {  	s9 =	sld [smem:$0x3FFD];
	_ =	sdelay $0x3  }
0x9c: {  	_ =	strace s9  }
0x9d: {  	_ =	strace $0x8FFFFFFF  }
0x9e: {  	s20 =	sld [smem:$0x3FDB];
	_ =	sdelay $0x1  }
0x9f: {  	s10 =	simm.s32 $_scs_section_size  }
0xa0: {  	s11 =	simm.s32 $_size__tile_overlayer_lowered;
	s12 =	simm.s32 $_tile_overlayer_lowered  }
0xa1: {  	s23 =	simm.s32 $0x1BFF;
	s22 =	sshll.u32 s12, $0x1;
	s9 =	sadd.s32 s10, s20  }
0xa2: {  	s13 =	simm.s32 $0x0;
	s21 =	sshll.u32 s11, $0x1;
	s11 =	sadd.s32 s22, s9  }
0xa3: {  	[timem:s13], [sflag:s23] =	dma.local [hbm:s11], s21  }
0xa4: {  	_ =	swait.ge [sflag:s23], s21  }
0xa5: {  	s10 =	ssub.s32 $0x0, s21;
	[sflag:s23] =	ssyncset.done $0x0  }
0xa6: {  	[sflag:s23] =	ssyncadd.s32 s10;
	_ =	sdelay $0x1  }
0xa7: {  	s24 =	simm.s32 $0x1B8B  }
0xa8: {  	_ =	swait.ge [sflag:s24], $0x1  }
0xa9: {  	[sflag:s24] =	ssyncset.done $0x0  }
0xaa: {  	s25 =	simm.s32 $0x1B8E;
	[sflag:s24] =	ssyncadd.s32 $0xFFFFFFFF  }
0xab: {  	s26 =	simm.s32 $execute0_lowered;
	[smem:$0x3FD2] =	sst s25  }
0xac: {  	s10 =	sshll.u32 s26, $0x1;
	_ =	strace $0x80000046;
	[dreg:$0x1] =	wrdreg $0xFFFFFFFF  }
0xad: {  	s28 =	simm.s32 $_size_execute0_lowered;
	s9 =	sadd.s32 s9, s10;
	[dreg:$0x0] =	wrdreg $0x0  }
0xae: {  	s10 =	sshll.u32 s28, $0x1;
	[dreg:$0x2] =	wrdreg s9  }
0xaf: {  	[dreg:$0x3] =	wrdreg s10  }
0xb0: {  	[dreg:$0x4] =	wrdreg $0xC0  }
0xb1: {  	_ =	task [dreg:s13], $0x5FFFF  }
0xb2: {  	[dreg:$0x1] =	wrdreg $0xFFFFFFFF  }
0xb3: {  	[dreg:$0x0] =	wrdreg $0x60  }
0xb4: {  	[dreg:$0x2] =	wrdreg s2  }
0xb5: {  	[dreg:$0x3] =	wrdreg s19  }
0xb6: {  	[dreg:$0x4] =	wrdreg s4  }
0xb7: {  	[dreg:$0x5] =	wrdreg s5  }
0xb8: {  	[dreg:$0x6] =	wrdreg s6  }
0xb9: {  	[dreg:$0x7] =	wrdreg s7  }
0xba: {  	[dreg:$0x8] =	wrdreg s8  }
0xbb: {  	[dreg:$0x9] =	wrdreg $0x81800  }
0xbc: {  	[dreg:$0xa] =	wrdreg $0x9  }
0xbd: {  	_ =	task.clear_ibuf [dreg:s13], $0xBFFFF;
	_ =	strace $0x90000046  }
0xbe: {  	s29 =	simm.s32 $0x9;
	_ =	strace $0x80000048  }
0xbf: {  	_ =	swait.ge [sflag:s29], $0x1  }
0xc0: {  	[sflag:s29] =	ssyncadd.s32 $0xFFFFFFFF  }
0xc1: {  	_ =	strace $0x90000048  }
0xc2: {  	_ =	sfence  }
0xc3: {  	s30 =	sld [smem:$0x0];
	_ =	sdelay $0x2  }
0xc4: {  	s31 =	sshll.u32 s1, $0xD;
	s1 =	sshrl.u32 s1, $0x2  }
0xc5: {  	s3 =	sand.u32 $0x4000, s31;
	s1 =	sadd.s32 s1, s30  }
0xc6: {  	s0 =	sor.u32 s3, s0;
	s1 =	sshll.u32 s1, $0x11  }
0xc7: {  	s0 =	sor.u32 s1, s0  }
0xc8: {  	s0 =	sadd.s32 $0x8F2B, s0  }
0xc9: {  	[sflag:s0] =	ssyncadd.remote.s32 $0x1  }
0xca: {  	_ =	sfence.sel $0xFFFF  }
0xcb: {  	[dreg:$0x0] =	wrdreg $0xFFFFFFFF;
	(pc) =	sbr.abs _section_cstart, $3  }
0xcc: {  	[dreg:$0x1] =	wrdreg $0xFFFFFFFF  }
0xcd: {  	_ =	task.clear_ibuf [dreg:s13], $0x2FFFF;
	_ =	strace $0x9FFFFFFF  }
0xce: {  	(tm) =	ssettm $0x7FFFFFFF  }
0xcf: {  	_ =	shalt  }
tec
execute0_lowered:
.L_overlay_start_1:
0x0: {  	(tag) =	ssettag $0x1  }
0x1: {  	s0 =	rddreg [dreg:$0x0]  }
0x2: {  	s1 =	rddreg [dreg:$0x1]  }
0x3: {  	s2 =	rddreg [dreg:$0x2]  }
0x4: {  	s4 =	rddreg [dreg:$0x3]  }
0x5: {  	s5 =	rddreg [dreg:$0x4]  }
0x6: {  	s12 =	rddreg [dreg:$0x5]  }
0x7: {  	s13 =	rddreg [dreg:$0x6]  }
0x8: {  	s6 =	rddreg [dreg:$0x7]  }
0x9: {  	s7 =	srdreg.scid;
	s3 =	rddreg [dreg:$0x8];
	s8 =	simm.s32 $0x0  }
0xa: {  	s20 =	simm.s32 $0x80;
	s21 =	simm.s32 $0x100;
	s22 =	simm.s32 $0x180  }
0xb: {  	s23 =	simm.s32 $0x4180;
	s11 =	sand.u32 $0x1, s7;
	s7 =	stileid.u32  }
0xc: {  	s24 =	simm.s32 $0x2;
	[smem:$0x7FF] =	sst s8;
	s17 =	smul.u32 $0x4E000, s7  }
0xd: {  	s19 =	sadd.s32 $0x124800, s6;
	s9 =	sshll.u32 s11, $0x4;
	s26 =	smul.u32 $0x2700, s7  }
0xe: {  	_ =	strace $0x80000047;
	s25 =	ssub.s32 $0x2, s11;
	s28 =	smul.u32 $0x138800, s11  }
0xf: {  	s30 =	smul.u32 $0x13800, s7;
	s10 =	sor.u32 s7, s9;
	s15 =	sshrl.u32 s25, $0x1  }
0x10: {  	s14 =	smul.u32 $0x4E, s10;
	s16 =	smin.u32 s10, $0x4;
	s15 =	ssub.s32 s25, s15  }
0x11: {  	p0 =	slt.u32 s10, $0x4;
	s10 =	simm.s32 $0x4F;
	s29 =	sshrl.u32 s17, $0x2  }
0x12: {  	s11 =	sadd.s32 s12, s26;
	s12 =	sadd.s32 $0x24900, s12;
	s31 =	sadd.s32 s30, s28  }
0x13: {  	s25 =	simm.s32 $0x1;
	s26 =	simm.s32 $0x3;
	s10 =	simm.s32 @!p0 $0x4E  }
.Ltmp0:
0x14: {  	s18 =	sadd.s32 s29, s6;
	p0 =	seq.s32 s7, $0xF;
	(pc) =	sbr.rel .LBB2_1-.Ltmp0, $4  }
0x15: {  	s15 =	smax.u32 s15, $0x1;
	s9 =	sadd.s32 s16, s14;
	s16 =	sshrl.u32 s28, $0x3  }
0x16: {  	s14 =	sshrl.u32 s31, $0x3;
	s17 =	sshll.u32 @!p0 s7, $0x6;
	s18 =	sshrl.u32 @!p0 s18, $0x3  }
0x17: {  	s16 =	sadd.s32 s13, s16;
	s13 =	sadd.s32 s13, s14;
	s17 =	sor.u32 @!p0 $0x1C03, s17  }
0x18: {  	s14 =	sadd.s32 $0x24900, s16;
	s16 =	sshrl.u32 @p0 s19, $0x3;
	s19 =	simm.s32 $0x4  }
.LBB2_7:
0x19: {  	[bflag:$0x0] =	sbarrier.arrive $0xFFFF;
	s28 =	simm.s32 @p0 $0x1FC3  }
0x1a: {  	[hbm:s14], [sflag:s28] =	dma.local @p0 [spmem:s16], $0x2800  }
0x1b: {  	s28 =	simm.s32 @p0 $0x3  }
0x1c: {  	s8 =	sadd.s32 $0x1, s8;
	_ =	swait.ge @p0 [sflag:s28], $0x2800  }
0x1d: {  	p1 =	sne.s32 s8, s15;
	[sflag:s28] =	ssyncset.done @p0 $0x0  }
.Ltmp1:
0x1e: {  	[sflag:s28] =	ssyncadd.s32 @p0 $0xFFFFD800;
	s28 =	simm.s32 @!p0 $0x3;
	(pc) =	sbr.rel @!p1 .LBB2_8-.Ltmp1, $4  }
0x1f: {  	[hbm:s13], [sflag:s17] =	dma.local @!p0 [spmem:s18], $0x2700  }
0x20: {  	_ =	swait.ge @!p0 [sflag:s28], $0x2700  }
0x21: {  	[sflag:s28] =	ssyncset.done @!p0 $0x0  }
0x22: {  	[sflag:s28] =	ssyncadd.s32 @!p0 $0xFFFFD900  }
.LBB2_1:
0x23: {  	s28 =	simm.s32 @p0 $0x1FC3  }
0x24: {  	[spmem:s16], [sflag:s28] =	dma.local @p0 [hbm:s12], $0x2800  }
0x25: {  	s28 =	simm.s32 @p0 $0x3  }
0x26: {  	_ =	swait.ge @p0 [sflag:s28], $0x2800  }
0x27: {  	[sflag:s28] =	ssyncset.done @p0 $0x0  }
0x28: {  	[sflag:s28] =	ssyncadd.s32 @p0 $0xFFFFD800;
	s28 =	simm.s32 @!p0 $0x3  }
0x29: {  	[spmem:s18], [sflag:s17] =	dma.local @!p0 [hbm:s11], $0x2700  }
.Ltmp2:
0x2a: {  	_ =	swait.ge @!p0 [sflag:s28], $0x2700;
	(pc) =	sbr.rel .LBB2_2-.Ltmp2, $4  }
0x2b: {  	[sflag:s28] =	ssyncset.done @!p0 $0x0  }
0x2c: {  	[sflag:s28] =	ssyncadd.s32 @!p0 $0xFFFFD900  }
0x2d: {  	[bflag:$0x0] =	sbarrier.arrive $0xFFFF  }
0x2e: {  	s28 =	simm.s32 $0x0  }
.LBB2_6:
0x2f: {  	s28 =	sadd.s32 $0x1, s28  }
0x30: {  	p1 =	sne.s32 s28, $0x4F  }
.Ltmp3:
0x31: {  	_ = 	snop;
	(pc) =	sbr.rel @!p1 .LBB2_7-.Ltmp3, $1  }
0x32: {  	_ =	sdelay $0x3  }
.LBB2_2:
0x33: {  	p1 =	sge.u32 s28, s10  }
.Ltmp4:
0x34: {  	_ = 	snop;
	(pc) =	sbr.rel @p1 .LBB2_6-.Ltmp4, $1  }
0x35: {  	_ =	sdelay $0x3  }
0x36: {  	s29 =	sadd.s32 s28, s9  }
0x37: {  	s29 =	sshll.u32 s29, $0x4  }
0x38: {  	s29 =	sand.u32 $0xFFFFFF0, s29  }
0x39: {  	s31 =	simm.s32 $0x0;
	s30 =	sadd.s32 s2, s29  }
0x3a: {  	[tilespmem:s31], [sflag:$0x4] =	stream.linear.gather [hbm4b:s30+s31], $0x80, $0x38;
	[tilespmem:$0x1BA00] =	vst v63  }
0x3b: {  	_ =	swait.ge [sflag:s19], $0x80  }
0x3c: {  	[sflag:s19] =	ssyncset.done $0x0  }
0x3d: {  	s30 =	sadd.s32 s4, s29;
	[sflag:s19] =	ssyncadd.s32 $0xFFFFFF80  }
0x3e: {  	[tilespmem:s20], [sflag:$0x4] =	stream.linear.gather [hbm4b:s30+s31], $0x80, $0x38;
	[tilespmem:$0x1BA00] =	vst v63  }
0x3f: {  	_ =	swait.ge [sflag:s19], $0x80  }
0x40: {  	[sflag:s19] =	ssyncset.done $0x0  }
0x41: {  	s29 =	sadd.s32 s5, s29;
	[sflag:s19] =	ssyncadd.s32 $0xFFFFFF80  }
0x42: {  	[tilespmem:s21], [sflag:$0x4] =	stream.linear.gather [hbm4b:s29+s31], $0x80, $0x38;
	[tilespmem:$0x1BA00] =	vst v63  }
0x43: {  	_ =	swait.ge [sflag:s19], $0x80  }
0x44: {  	[sflag:s19] =	ssyncset.done $0x0  }
0x45: {  	[sflag:s19] =	ssyncadd.s32 $0xFFFFFF80  }
0x46: {  	[tilespmem:s22], [sflag:$0x2] =	stream.indirect.gather [hbm4b:s1+s20], $0x80, s21, s20, $0xb8;
	[tilespmem:$0x1BA00] =	vst v63  }
0x47: {  	_ = 	snop  }
0x48: {  	[tilespmem:s23], [sflag:$0x1] =	stream.indirect.gather [hbm4b:s0+s20], $0x80, s31, s20, $0xb8;
	[tilespmem:$0x1BA00] =	vst v63  }
0x49: {  	_ =	swait.ge [sflag:s24], $0x4000  }
0x4a: {  	[sflag:s24] =	ssyncset.done $0x0  }
0x4b: {  	[sflag:s24] =	ssyncadd.s32 $0xFFFFC000  }
0x4c: {  	_ =	swait.ge [sflag:s25], $0x4000  }
0x4d: {  	[sflag:s25] =	ssyncset.done $0x0  }
0x4e: {  	s29 =	simm.s32 $0x0;
	[sflag:s25] =	ssyncadd.s32 $0xFFFFC000  }
0x4f: {  	v6 =	vld [tilespmem:s29+$0x4180]  }
0x50: {  	v11 =	vld [tilespmem:s29+$0x4190]  }
0x51: {  	v5 =	vld [tilespmem:s29+$0x41A0]  }
0x52: {  	v4 =	vld [tilespmem:s29+$0x41B0]  }
0x53: {  	v3 =	vld [tilespmem:s29+$0x41C0]  }
0x54: {  	v2 =	vld [tilespmem:s29+$0x41D0]  }
0x55: {  	v1 =	vld [tilespmem:s29+$0x41E0]  }
0x56: {  	v0 =	vld [tilespmem:s29+$0x41F0]  }
0x57: {  	v12 =	vld [tilespmem:s29+$0x180]  }
0x58: {  	v13 =	vld [tilespmem:s29+$0x190]  }
0x59: {  	v10 =	vld [tilespmem:s29+$0x1A0]  }
0x5a: {  	v9 =	vld [tilespmem:s29+$0x1B0]  }
0x5b: {  	v8 =	vld [tilespmem:s29+$0x1C0]  }
0x5c: {  	v7 =	vld [tilespmem:s29+$0x1D0];
	v12 =	vadd.f32 v6, v12  }
0x5d: {  	s30 =	simm.s32 $0x200;
	v11 =	vadd.f32 v11, v13;
	v6 =	vld [tilespmem:s29+$0x1E0]  }
.LBB2_4:
0x5e: {  	s31 =	sshra.s32 s30, $0x2;
	p1 =	sne.s32 s30, $0xFE00;
	v12 =	vmax.f32 v12, $0.0e+00;
	v5 =	vadd.f32 v5, v10;
	v10 =	vld [tilespmem:s29+$0x1F0]  }
0x5f: {  	v13 =	vld [tilespmem:s31+$0x4180];
	[tilespmem:s29+$0x180] =	vst v12;
	v11 =	vmax.f32 v11, $0.0e+00;
	v4 =	vadd.f32 v4, v9  }
0x60: {  	v14 =	vld [tilespmem:s31+$0x4190];
	[tilespmem:s29+$0x190] =	vst v11;
	v9 =	vmax.f32 v5, $0.0e+00;
	v3 =	vadd.f32 v3, v8  }
0x61: {  	v5 =	vld [tilespmem:s31+$0x41A0];
	[tilespmem:s29+$0x1A0] =	vst v9;
	v8 =	vmax.f32 v4, $0.0e+00;
	v2 =	vadd.f32 v2, v7  }
0x62: {  	v4 =	vld [tilespmem:s31+$0x41B0];
	[tilespmem:s29+$0x1B0] =	vst v8;
	v7 =	vmax.f32 v3, $0.0e+00;
	v1 =	vadd.f32 v1, v6  }
0x63: {  	v3 =	vld [tilespmem:s31+$0x41C0];
	[tilespmem:s29+$0x1C0] =	vst v7;
	v6 =	vmax.f32 v2, $0.0e+00;
	v0 =	vadd.f32 v0, v10  }
0x64: {  	v2 =	vld [tilespmem:s31+$0x41D0];
	[tilespmem:s29+$0x1D0] =	vst v6;
	v6 =	vmax.f32 v1, $0.0e+00  }
0x65: {  	v1 =	vld [tilespmem:s31+$0x41E0];
	[tilespmem:s29+$0x1E0] =	vst v6;
	v6 =	vmax.f32 v0, $0.0e+00  }
0x66: {  	v0 =	vld [tilespmem:s31+$0x41F0];
	[tilespmem:s29+$0x1F0] =	vst v6;
	s29 =	smov.u32 s31  }
0x67: {  	v6 =	vld [tilespmem:s29+$0x180]  }
0x68: {  	v11 =	vld [tilespmem:s29+$0x190]  }
.Ltmp5:
0x69: {  	v10 =	vld [tilespmem:s29+$0x1A0];
	(pc) =	sbr.rel @p1 .LBB2_4-.Ltmp5, $4  }
0x6a: {  	v9 =	vld [tilespmem:s29+$0x1B0]  }
0x6b: {  	v8 =	vld [tilespmem:s29+$0x1C0]  }
0x6c: {  	v12 =	vadd.f32 v13, v6;
	v7 =	vld [tilespmem:s29+$0x1D0]  }
0x6d: {  	s30 =	sadd.s32 $0x200, s30;
	v11 =	vadd.f32 v14, v11;
	v6 =	vld [tilespmem:s29+$0x1E0]  }
0x6e: {  	v12 =	vmax.f32 v12, $0.0e+00;
	v5 =	vadd.f32 v5, v10;
	v63 =	vld [tilespmem:s29+$0x1F0]  }
0x6f: {  	[tilespmem:s29+$0x180] =	vst v12;
	v11 =	vmax.f32 v11, $0.0e+00;
	v4 =	vadd.f32 v4, v9  }
0x70: {  	[tilespmem:s29+$0x190] =	vst v11;
	v5 =	vmax.f32 v5, $0.0e+00;
	v3 =	vadd.f32 v3, v8  }
0x71: {  	[tilespmem:s29+$0x1A0] =	vst v5;
	v4 =	vmax.f32 v4, $0.0e+00;
	v2 =	vadd.f32 v2, v7  }
0x72: {  	[tilespmem:s29+$0x1B0] =	vst v4;
	v3 =	vmax.f32 v3, $0.0e+00;
	v1 =	vadd.f32 v1, v6  }
0x73: {  	[tilespmem:s29+$0x1C0] =	vst v3;
	v2 =	vmax.f32 v2, $0.0e+00;
	v0 =	vadd.f32 v0, v63  }
0x74: {  	[tilespmem:s29+$0x1D0] =	vst v2;
	v1 =	vmax.f32 v1, $0.0e+00  }
0x75: {  	[tilespmem:s29+$0x1E0] =	vst v1;
	v0 =	vmax.f32 v0, $0.0e+00  }
.Ltmp6:
0x76: {  	[tilespmem:s29+$0x1F0] =	vst v0;
	(pc) =	sbr.rel .LBB2_6-.Ltmp6, $4  }
0x77: {  	[spmem:s6] =	stream.indirect.scatter.add.f32 [tilespmem:s22], [sflag:$0x3], $0x80, s20, s20, $0xb8;
	[tilespmem:$0x1BA00] =	vst v63  }
0x78: {  	_ =	swait.ge [sflag:s26], $0x4000  }
0x79: {  	[sflag:s26] =	ssyncset.done $0x0  }
0x7a: {  	[sflag:s26] =	ssyncadd.s32 $0xFFFFC000  }
.LBB2_8:
0x7b: {  	_ =	sfence.sel $0x180000  }
0x7c: {  	[bflag:$0x0] =	sbarrier.arrive $0xFFFF  }
0x7d: {  	p0 =	sne.s32 s7, $0x0;
	_ =	strace $0x90000047  }
0x7e: {  	s0 =	sadd.s32 @!p0 $0x100000, s3;
	[bflag:$0x2] =	sbarrier.arrive $0xFFFF  }
0x7f: {  	[sflag:s0] =	ssyncadd.tile.s32 @!p0 $0x1;
	_ =	shalt  }
.Lfunc_end2:
_tile_overlayer_lowered:
.L_overlay_start_2:
0x80: {  	(tag) =	ssettag $0x2  }
0x81: {  	s0 =	rddreg [dreg:$0x0];
	s2 =	stileid.u32  }
0x82: {  	s1 =	rddreg [dreg:$0x1];
	p0 =	sne.s32 s2, $0x0  }
0x83: {  	s3 =	rddreg [dreg:$0x2];
	[bflag:$0x3] =	sbarrier.arrive $0xFFFF;
	s2 =	simm.s32 @!p0 $0x1C03  }
0x84: {  	[timem:s3], [sflag:s2] =	dma.local @!p0 [hbm:s0], s1  }
0x85: {  	s0 =	simm.s32 @!p0 $0x3  }
0x86: {  	_ =	swait.ge @!p0 [sflag:s0], s1  }
0x87: {  	s1 =	ssub.s32 @!p0 $0x0, s1;
	[sflag:s0] =	ssyncset.done @!p0 $0x0  }
0x88: {  	[sflag:s0] =	ssyncadd.s32 @!p0 s1  }
0x89: {  	[bflag:$0x3] =	sbarrier.arrive $0xFFFF  }
0x8a: {  	_ =	shalt  }

</sc_bundles>
